<compile_context>
chip_gen: v7x
topology: tpu7x:2x2x1
jax: 0.10.2.dev20260603
libtpu: 0.0.44.dev20260713+nightly
codegen_flags: <defaults>
</compile_context>

<pallas_src>
import functools

import jax
import jax.numpy as jnp
from jax import lax
from jax.experimental import pallas as pl
from jax.experimental.pallas import tpu as pltpu
from jax.experimental.pallas import tpu_sc as plsc

SIZE = 65536
MAX_EDGES = 4194304
NC = 2
NS = 16
NW = NC * NS
EPW = MAX_EDGES // NW
CHUNK = 4096
NCHUNK = EPW // CHUNK
L = 16

_mesh = plsc.VectorSubcoreMesh(core_axis_name="c", subcore_axis_name="s")


def _pack_body(x_ref, out_ref):
    lo = lax.bitcast_convert_type(
        x_ref[pl.ds(0, SIZE // 2)].astype(jnp.bfloat16), jnp.uint16)
    hi = lax.bitcast_convert_type(
        x_ref[pl.ds(SIZE // 2, SIZE // 2)].astype(jnp.bfloat16), jnp.uint16)
    packed = lo.astype(jnp.uint32) | (hi.astype(jnp.uint32) << 16)
    out_ref[:] = lax.bitcast_convert_type(packed, jnp.int32)


@functools.partial(
    pl.kernel,
    mesh=_mesh,
    out_type=jax.ShapeDtypeStruct((NW, SIZE), jnp.float32),
    scratch_types=[
        pltpu.VMEM((SIZE // 2,), jnp.int32),
        pltpu.VMEM((SIZE,), jnp.float32),
        pltpu.VMEM((CHUNK,), jnp.int32),
        pltpu.VMEM((CHUNK,), jnp.int32),
        pltpu.VMEM((CHUNK,), jnp.float32),
        pltpu.VMEM((CHUNK,), jnp.int32),
        pltpu.VMEM((CHUNK,), jnp.int32),
        pltpu.VMEM((CHUNK,), jnp.float32),
        pltpu.SemaphoreType.DMA,
        pltpu.SemaphoreType.DMA,
        pltpu.SemaphoreType.DMA,
    ],
    compiler_params=pltpu.CompilerParams(needs_layout_passes=False),
)
def _sc_scatter(xp_hbm, src_hbm, dst_hbm, w_hbm, part_hbm,
                xp, acc, src_a, dst_a, w_a, src_b, dst_b, w_b,
                sem_a, sem_b, sem_x):
    cid = lax.axis_index("c")
    sid = lax.axis_index("s")
    wid = sid * NC + cid
    base = wid * EPW

    hx = pltpu.async_copy(xp_hbm, xp, sem_x)

    zeros = jnp.zeros((L,), jnp.float32)

    @plsc.parallel_loop(0, SIZE // L, unroll=8)
    def _(i):
        acc[pl.ds(i * L, L)] = zeros

    hx.wait()

    def issue(c, sbuf, dbuf, wbuf, sem):
        off = base + c * CHUNK
        pltpu.async_copy(src_hbm.at[pl.ds(off, CHUNK)], sbuf, sem)
        pltpu.async_copy(dst_hbm.at[pl.ds(off, CHUNK)], dbuf, sem)
        pltpu.async_copy(w_hbm.at[pl.ds(off, CHUNK)], wbuf, sem)

    def drain(sbuf, dbuf, wbuf, sem):
        pltpu.make_async_copy(src_hbm.at[pl.ds(0, CHUNK)], sbuf, sem).wait()
        pltpu.make_async_copy(dst_hbm.at[pl.ds(0, CHUNK)], dbuf, sem).wait()
        pltpu.make_async_copy(w_hbm.at[pl.ds(0, CHUNK)], wbuf, sem).wait()

    def compute(sbuf, dbuf, wbuf):
        @plsc.parallel_loop(0, CHUNK // L, unroll=8)
        def _(j):
            sl = pl.ds(j * L, L)
            s = sbuf[sl]
            d = dbuf[sl]
            wv = wbuf[sl]
            word = plsc.load_gather(xp, [s & (SIZE // 2 - 1)])
            sh = lax.shift_right_logical(s, 11) & 16
            bits = lax.shift_left(lax.shift_right_logical(word, sh), 16)
            xv = plsc.bitcast(bits, jnp.float32)
            plsc.addupdate_scatter(acc, [d], xv * wv)

    issue(0, src_a, dst_a, w_a, sem_a)

    def pair_body(i, carry):
        c = i * 2
        issue(c + 1, src_b, dst_b, w_b, sem_b)
        drain(src_a, dst_a, w_a, sem_a)
        compute(src_a, dst_a, w_a)

        @pl.when(i < NCHUNK // 2 - 1)
        def _():
            issue(c + 2, src_a, dst_a, w_a, sem_a)

        drain(src_b, dst_b, w_b, sem_b)
        compute(src_b, dst_b, w_b)
        return carry

    lax.fori_loop(0, NCHUNK // 2, pair_body, 0)
    pltpu.sync_copy(acc, part_hbm.at[wid])


def _combine_body(part_ref, bias_ref, out_ref):
    out_ref[:] = jnp.sum(part_ref[:], axis=0) + bias_ref[:]


@jax.jit
def kernel(x, src, dst, edge_weights, bias):
    x_packed = pl.pallas_call(
        _pack_body,
        out_shape=jax.ShapeDtypeStruct((SIZE // 2,), jnp.int32),
    )(x)
    partials = _sc_scatter(x_packed, src, dst, edge_weights)
    out = pl.pallas_call(
        _combine_body,
        out_shape=jax.ShapeDtypeStruct((SIZE,), jnp.float32),
    )(partials, bias)
    return out

# --- scband reference (transcript-rebuilt; emitter-appended) ---
"""Pipeline reference for scband-self-wiring-layer-31525059952785 (READ-ONLY COPY).

The authoritative reference and input builder live on the scoring server;
editing this copy changes nothing except your own understanding.
"""

import jax, jax.numpy as jnp
import numpy as np

SIZE = 65536
MAX_EDGES = 4194304

def setup_inputs(seed: int = 0) -> dict:
    key = jax.random.key(seed)
    k1, k2, k3, k4 = jax.random.split(key, 4)
    x = jax.random.normal(k1, (SIZE,), dtype=jnp.float32)
    src = jax.random.randint(k2, (MAX_EDGES,), 0, SIZE, dtype=jnp.int32)
    dst = jax.random.randint(k3, (MAX_EDGES,), 0, SIZE, dtype=jnp.int32)
    # n_init = min(size*size*init_density, max_edges) == max_edges here, so all
    # edge weights are initialized randn * sqrt(2/size)
    edge_weights = jax.random.normal(k4, (MAX_EDGES,), dtype=jnp.float32) * (2.0 / SIZE) ** 0.5
    bias = jnp.zeros((SIZE,), dtype=jnp.float32)
    return {"x": x, "src": src, "dst": dst, "edge_weights": edge_weights, "bias": bias}

def reference(x, src, dst, edge_weights, bias):
    # gather source activations along edges
    src_vals = jnp.take(x, src, axis=0)
    weighted = src_vals * edge_weights
    # scatter-add into destination nodes
    out = jnp.zeros((SIZE,), dtype=x.dtype).at[dst].add(weighted)
    out = out + bias
    return out

if __name__ == "__main__":
    import jax
    _d = setup_inputs()
    print(jax.jit(kernel)(*tuple(_d.values())))

</pallas_src>

<mosaic_0001>
#map = affine_map<(d0, d1) -> (0)>
#map1 = affine_map<(d0, d1) -> (0, 0)>
module attributes {stable_mosaic.version = 14 : i64} {
  func.func @_sc_scatter(%arg0: i32, %arg1: i32, %arg2: memref<32768xi32, #tpu.memory_space<hbm>>, %arg3: memref<4194304xi32, #tpu.memory_space<hbm>>, %arg4: memref<4194304xi32, #tpu.memory_space<hbm>>, %arg5: memref<4194304xf32, #tpu.memory_space<hbm>>, %arg6: memref<32x65536xf32, #tpu.memory_space<hbm>>, %arg7: memref<32768xi32, #tpu.memory_space<vmem>>, %arg8: memref<65536xf32, #tpu.memory_space<vmem>>, %arg9: memref<4096xi32, #tpu.memory_space<vmem>>, %arg10: memref<4096xi32, #tpu.memory_space<vmem>>, %arg11: memref<4096xf32, #tpu.memory_space<vmem>>, %arg12: memref<4096xi32, #tpu.memory_space<vmem>>, %arg13: memref<4096xi32, #tpu.memory_space<vmem>>, %arg14: memref<4096xf32, #tpu.memory_space<vmem>>, %arg15: memref<!tpu.dma_semaphore, #tpu.memory_space<semaphore_mem>>, %arg16: memref<!tpu.dma_semaphore, #tpu.memory_space<semaphore_mem>>, %arg17: memref<!tpu.dma_semaphore, #tpu.memory_space<semaphore_mem>>) attributes {dimension_semantics = [#tpu.dimension_semantics<core_parallel>, #tpu.dimension_semantics<subcore_parallel>], iteration_bounds = array<i64: 2, 16>, scalar_prefetch = 0 : i64, scratch_operands = 11 : i64, tpu.core_type = #tpu.core_type<sc_vector_subcore>, window_params = [{transform_indices = #map}, {transform_indices = #map}, {transform_indices = #map}, {transform_indices = #map}, {transform_indices = #map1}]} {
    %mul3A = arith.constant 2 : i32
    %mul3A_0 = arith.muli %arg1, %mul3A : i32
    %add3A = arith.addi %mul3A_0, %arg0 : i32
    %mul3A_1 = arith.constant 131072 : i32
    %mul3A_2 = arith.muli %add3A, %mul3A_1 : i32
    tpu.enqueue_dma source(%arg2 : memref<32768xi32, #tpu.memory_space<hbm>>) target(%arg7 : memref<32768xi32, #tpu.memory_space<vmem>>) target_semaphore(%arg17 : memref<!tpu.dma_semaphore, #tpu.memory_space<semaphore_mem>>)
    %broadcast_in_dim3A = arith.constant 0.000000e+00 : f32
    %broadcast_in_dim3A_3 = vector.broadcast %broadcast_in_dim3A : f32 to vector<16xf32>
    %parallel_loop3A = arith.constant 0 : i32
    %parallel_loop3A_4 = arith.constant 4096 : i32
    %parallel_loop3A_5 = arith.constant 1 : i32
    scf.for %parallel_loop3A_18 = %parallel_loop3A to %parallel_loop3A_4 step %parallel_loop3A_5  : i32 {
      %parallel_loop3A_19 = arith.constant 16 : i32
      %parallel_loop3A_20 = arith.muli %parallel_loop3A_18, %parallel_loop3A_19 : i32
      %parallel_loop3A_21 = arith.index_cast %parallel_loop3A_20 : i32 to index
      %parallel_loop3A_22 = tpu.vector_load %arg8[%parallel_loop3A_21] {strides = array<i32>} : memref<65536xf32, #tpu.memory_space<vmem>>, vector<16xf32>,
      tpu.vector_store %arg8[%parallel_loop3A_21], %broadcast_in_dim3A_3 {strides = array<i32>} : memref<65536xf32, #tpu.memory_space<vmem>>, vector<16xf32>,
    } {sc.loop_unroll_factor = 8 : i64, sc.parallel_access}
    tpu.wait_dma2 semaphore(%arg17 : memref<!tpu.dma_semaphore, #tpu.memory_space<semaphore_mem>>) src(%arg2 : memref<32768xi32, #tpu.memory_space<hbm>>) dst(%arg7 : memref<32768xi32, #tpu.memory_space<vmem>>)
    %add3A_6 = arith.constant 0 : i32
    %add3A_7 = arith.addi %mul3A_2, %add3A_6 : i32
    %dma_start3A = tpu.memref_slice %arg3[%add3A_7] : memref<4194304xi32, #tpu.memory_space<hbm>> -> memref<4096xi32, #tpu.memory_space<hbm>>
    %dma_start3A_8 = tpu.memref_slice %arg3[%add3A_7] : memref<4194304xi32, #tpu.memory_space<hbm>> -> memref<4096xi32, #tpu.memory_space<hbm>>
    tpu.enqueue_dma source(%dma_start3A_8 : memref<4096xi32, #tpu.memory_space<hbm>>) target(%arg9 : memref<4096xi32, #tpu.memory_space<vmem>>) target_semaphore(%arg15 : memref<!tpu.dma_semaphore, #tpu.memory_space<semaphore_mem>>)
    %dma_start3A_9 = tpu.memref_slice %arg4[%add3A_7] : memref<4194304xi32, #tpu.memory_space<hbm>> -> memref<4096xi32, #tpu.memory_space<hbm>>
    %dma_start3A_10 = tpu.memref_slice %arg4[%add3A_7] : memref<4194304xi32, #tpu.memory_space<hbm>> -> memref<4096xi32, #tpu.memory_space<hbm>>
    tpu.enqueue_dma source(%dma_start3A_10 : memref<4096xi32, #tpu.memory_space<hbm>>) target(%arg10 : memref<4096xi32, #tpu.memory_space<vmem>>) target_semaphore(%arg15 : memref<!tpu.dma_semaphore, #tpu.memory_space<semaphore_mem>>)
    %dma_start3A_11 = tpu.memref_slice %arg5[%add3A_7] : memref<4194304xf32, #tpu.memory_space<hbm>> -> memref<4096xf32, #tpu.memory_space<hbm>>
    %dma_start3A_12 = tpu.memref_slice %arg5[%add3A_7] : memref<4194304xf32, #tpu.memory_space<hbm>> -> memref<4096xf32, #tpu.memory_space<hbm>>
    tpu.enqueue_dma source(%dma_start3A_12 : memref<4096xf32, #tpu.memory_space<hbm>>) target(%arg11 : memref<4096xf32, #tpu.memory_space<vmem>>) target_semaphore(%arg15 : memref<!tpu.dma_semaphore, #tpu.memory_space<semaphore_mem>>)
    %scan3A = arith.constant 0 : i32
    %scan3A_13 = arith.constant 0 : i32
    %scan3A_14 = arith.constant 16 : i32
    %scan3A_15 = arith.addi %scan3A_13, %scan3A_14 : i32
    %scan3A_16 = arith.constant 1 : i32
    scf.for %scan3A_18 = %scan3A_13 to %scan3A_15 step %scan3A_16  : i32 {
      %mul3A_19 = arith.constant 2 : i32
      %mul3A_20 = arith.muli %scan3A_18, %mul3A_19 : i32
      %add3A_21 = arith.constant 1 : i32
      %add3A_22 = arith.addi %mul3A_20, %add3A_21 : i32
      %mul3A_23 = arith.constant 4096 : i32
      %mul3A_24 = arith.muli %add3A_22, %mul3A_23 : i32
      %add3A_25 = arith.addi %mul3A_2, %mul3A_24 : i32
      %dma_start3A_26 = tpu.memref_slice %arg3[%add3A_25] : memref<4194304xi32, #tpu.memory_space<hbm>> -> memref<4096xi32, #tpu.memory_space<hbm>>
      %dma_start3A_27 = tpu.memref_slice %arg3[%add3A_25] : memref<4194304xi32, #tpu.memory_space<hbm>> -> memref<4096xi32, #tpu.memory_space<hbm>>
      tpu.enqueue_dma source(%dma_start3A_27 : memref<4096xi32, #tpu.memory_space<hbm>>) target(%arg12 : memref<4096xi32, #tpu.memory_space<vmem>>) target_semaphore(%arg16 : memref<!tpu.dma_semaphore, #tpu.memory_space<semaphore_mem>>)
      %dma_start3A_28 = tpu.memref_slice %arg4[%add3A_25] : memref<4194304xi32, #tpu.memory_space<hbm>> -> memref<4096xi32, #tpu.memory_space<hbm>>
      %dma_start3A_29 = tpu.memref_slice %arg4[%add3A_25] : memref<4194304xi32, #tpu.memory_space<hbm>> -> memref<4096xi32, #tpu.memory_space<hbm>>
      tpu.enqueue_dma source(%dma_start3A_29 : memref<4096xi32, #tpu.memory_space<hbm>>) target(%arg13 : memref<4096xi32, #tpu.memory_space<vmem>>) target_semaphore(%arg16 : memref<!tpu.dma_semaphore, #tpu.memory_space<semaphore_mem>>)
      %dma_start3A_30 = tpu.memref_slice %arg5[%add3A_25] : memref<4194304xf32, #tpu.memory_space<hbm>> -> memref<4096xf32, #tpu.memory_space<hbm>>
      %dma_start3A_31 = tpu.memref_slice %arg5[%add3A_25] : memref<4194304xf32, #tpu.memory_space<hbm>> -> memref<4096xf32, #tpu.memory_space<hbm>>
      tpu.enqueue_dma source(%dma_start3A_31 : memref<4096xf32, #tpu.memory_space<hbm>>) target(%arg14 : memref<4096xf32, #tpu.memory_space<vmem>>) target_semaphore(%arg16 : memref<!tpu.dma_semaphore, #tpu.memory_space<semaphore_mem>>)
      %dma_wait3A = arith.constant 0 : i32
      %dma_wait3A_32 = tpu.memref_slice %arg3[%dma_wait3A] : memref<4194304xi32, #tpu.memory_space<hbm>> -> memref<4096xi32, #tpu.memory_space<hbm>>
      %dma_wait3A_33 = arith.constant 0 : i32
      %dma_wait3A_34 = tpu.memref_slice %arg3[%dma_wait3A_33] : memref<4194304xi32, #tpu.memory_space<hbm>> -> memref<4096xi32, #tpu.memory_space<hbm>>
      tpu.wait_dma2 semaphore(%arg15 : memref<!tpu.dma_semaphore, #tpu.memory_space<semaphore_mem>>) src(%dma_wait3A_34 : memref<4096xi32, #tpu.memory_space<hbm>>) dst(%arg9 : memref<4096xi32, #tpu.memory_space<vmem>>)
      %dma_wait3A_35 = arith.constant 0 : i32
      %dma_wait3A_36 = tpu.memref_slice %arg4[%dma_wait3A_35] : memref<4194304xi32, #tpu.memory_space<hbm>> -> memref<4096xi32, #tpu.memory_space<hbm>>
      %dma_wait3A_37 = arith.constant 0 : i32
      %dma_wait3A_38 = tpu.memref_slice %arg4[%dma_wait3A_37] : memref<4194304xi32, #tpu.memory_space<hbm>> -> memref<4096xi32, #tpu.memory_space<hbm>>
      tpu.wait_dma2 semaphore(%arg15 : memref<!tpu.dma_semaphore, #tpu.memory_space<semaphore_mem>>) src(%dma_wait3A_38 : memref<4096xi32, #tpu.memory_space<hbm>>) dst(%arg10 : memref<4096xi32, #tpu.memory_space<vmem>>)
      %dma_wait3A_39 = arith.constant 0 : i32
      %dma_wait3A_40 = tpu.memref_slice %arg5[%dma_wait3A_39] : memref<4194304xf32, #tpu.memory_space<hbm>> -> memref<4096xf32, #tpu.memory_space<hbm>>
      %dma_wait3A_41 = arith.constant 0 : i32
      %dma_wait3A_42 = tpu.memref_slice %arg5[%dma_wait3A_41] : memref<4194304xf32, #tpu.memory_space<hbm>> -> memref<4096xf32, #tpu.memory_space<hbm>>
      tpu.wait_dma2 semaphore(%arg15 : memref<!tpu.dma_semaphore, #tpu.memory_space<semaphore_mem>>) src(%dma_wait3A_42 : memref<4096xf32, #tpu.memory_space<hbm>>) dst(%arg11 : memref<4096xf32, #tpu.memory_space<vmem>>)
      %parallel_loop3A_43 = arith.constant 0 : i32
      %parallel_loop3A_44 = arith.constant 256 : i32
      %parallel_loop3A_45 = arith.constant 1 : i32
      scf.for %parallel_loop3A_63 = %parallel_loop3A_43 to %parallel_loop3A_44 step %parallel_loop3A_45  : i32 {
        %parallel_loop3A_64 = arith.constant 16 : i32
        %parallel_loop3A_65 = arith.muli %parallel_loop3A_63, %parallel_loop3A_64 : i32
        %parallel_loop3A_66 = arith.index_cast %parallel_loop3A_65 : i32 to index
        %parallel_loop3A_67 = tpu.vector_load %arg9[%parallel_loop3A_66] {strides = array<i32>} : memref<4096xi32, #tpu.memory_space<vmem>>, vector<16xi32>,
        %parallel_loop3A_68 = arith.index_cast %parallel_loop3A_65 : i32 to index
        %parallel_loop3A_69 = tpu.vector_load %arg10[%parallel_loop3A_68] {strides = array<i32>} : memref<4096xi32, #tpu.memory_space<vmem>>, vector<16xi32>,
        %parallel_loop3A_70 = arith.index_cast %parallel_loop3A_65 : i32 to index
        %parallel_loop3A_71 = tpu.vector_load %arg11[%parallel_loop3A_70] {strides = array<i32>} : memref<4096xf32, #tpu.memory_space<vmem>>, vector<16xf32>,
        %parallel_loop3A_72 = arith.constant 32767 : i32
        %parallel_loop3A_73 = vector.broadcast %parallel_loop3A_72 : i32 to vector<16xi32>
        %parallel_loop3A_74 = arith.andi %parallel_loop3A_67, %parallel_loop3A_73 : vector<16xi32>
        %parallel_loop3A_75 = tpu.vector_load_idx %arg7[%parallel_loop3A_74] : memref<32768xi32, #tpu.memory_space<vmem>>[vector<16xi32>], vector<16xi32>,
        %parallel_loop3A_76 = arith.constant 11 : i32
        %parallel_loop3A_77 = vector.broadcast %parallel_loop3A_76 : i32 to vector<16xi32>
        %parallel_loop3A_78 = arith.shrui %parallel_loop3A_67, %parallel_loop3A_77 : vector<16xi32>
        %parallel_loop3A_79 = arith.constant 16 : i32
        %parallel_loop3A_80 = vector.broadcast %parallel_loop3A_79 : i32 to vector<16xi32>
        %parallel_loop3A_81 = arith.andi %parallel_loop3A_78, %parallel_loop3A_80 : vector<16xi32>
        %parallel_loop3A_82 = arith.shrui %parallel_loop3A_75, %parallel_loop3A_81 : vector<16xi32>
        %parallel_loop3A_83 = arith.constant 16 : i32
        %parallel_loop3A_84 = vector.broadcast %parallel_loop3A_83 : i32 to vector<16xi32>
        %parallel_loop3A_85 = arith.shli %parallel_loop3A_82, %parallel_loop3A_84 : vector<16xi32>
        %parallel_loop3A_86 = vector.bitcast %parallel_loop3A_85 : vector<16xi32> to vector<16xf32>
        %parallel_loop3A_87 = arith.mulf %parallel_loop3A_86, %parallel_loop3A_71 : vector<16xf32>
        tpu.vector_store_idx %arg8[%parallel_loop3A_69], %parallel_loop3A_87 {add = true} : memref<65536xf32, #tpu.memory_space<vmem>>[vector<16xi32>], vector<16xf32>,
      } {sc.loop_unroll_factor = 8 : i64, sc.parallel_access}
      %lt3A = arith.constant 15 : i32
      %lt3A_46 = arith.cmpi slt, %scan3A_18, %lt3A : i32
      %convert_element_type3A = arith.extui %lt3A_46 : i1 to i32
      %cond3A = arith.constant 0 : i32
      %cond3A_47 = arith.cmpi ne, %convert_element_type3A, %cond3A : i32
      scf.if %cond3A_47 {
        %add3A_63 = arith.constant 2 : i32
        %add3A_64 = arith.addi %mul3A_20, %add3A_63 : i32
        %mul3A_65 = arith.constant 4096 : i32
        %mul3A_66 = arith.muli %add3A_64, %mul3A_65 : i32
        %add3A_67 = arith.addi %mul3A_2, %mul3A_66 : i32
        %dma_start3A_68 = tpu.memref_slice %arg3[%add3A_67] : memref<4194304xi32, #tpu.memory_space<hbm>> -> memref<4096xi32, #tpu.memory_space<hbm>>
        %dma_start3A_69 = tpu.memref_slice %arg3[%add3A_67] : memref<4194304xi32, #tpu.memory_space<hbm>> -> memref<4096xi32, #tpu.memory_space<hbm>>
        tpu.enqueue_dma source(%dma_start3A_69 : memref<4096xi32, #tpu.memory_space<hbm>>) target(%arg9 : memref<4096xi32, #tpu.memory_space<vmem>>) target_semaphore(%arg15 : memref<!tpu.dma_semaphore, #tpu.memory_space<semaphore_mem>>)
        %dma_start3A_70 = tpu.memref_slice %arg4[%add3A_67] : memref<4194304xi32, #tpu.memory_space<hbm>> -> memref<4096xi32, #tpu.memory_space<hbm>>
        %dma_start3A_71 = tpu.memref_slice %arg4[%add3A_67] : memref<4194304xi32, #tpu.memory_space<hbm>> -> memref<4096xi32, #tpu.memory_space<hbm>>
        tpu.enqueue_dma source(%dma_start3A_71 : memref<4096xi32, #tpu.memory_space<hbm>>) target(%arg10 : memref<4096xi32, #tpu.memory_space<vmem>>) target_semaphore(%arg15 : memref<!tpu.dma_semaphore, #tpu.memory_space<semaphore_mem>>)
        %dma_start3A_72 = tpu.memref_slice %arg5[%add3A_67] : memref<4194304xf32, #tpu.memory_space<hbm>> -> memref<4096xf32, #tpu.memory_space<hbm>>
        %dma_start3A_73 = tpu.memref_slice %arg5[%add3A_67] : memref<4194304xf32, #tpu.memory_space<hbm>> -> memref<4096xf32, #tpu.memory_space<hbm>>
        tpu.enqueue_dma source(%dma_start3A_73 : memref<4096xf32, #tpu.memory_space<hbm>>) target(%arg11 : memref<4096xf32, #tpu.memory_space<vmem>>) target_semaphore(%arg15 : memref<!tpu.dma_semaphore, #tpu.memory_space<semaphore_mem>>)
      } else {
      }
      %dma_wait3A_48 = arith.constant 0 : i32
      %dma_wait3A_49 = tpu.memref_slice %arg3[%dma_wait3A_48] : memref<4194304xi32, #tpu.memory_space<hbm>> -> memref<4096xi32, #tpu.memory_space<hbm>>
      %dma_wait3A_50 = arith.constant 0 : i32
      %dma_wait3A_51 = tpu.memref_slice %arg3[%dma_wait3A_50] : memref<4194304xi32, #tpu.memory_space<hbm>> -> memref<4096xi32, #tpu.memory_space<hbm>>
      tpu.wait_dma2 semaphore(%arg16 : memref<!tpu.dma_semaphore, #tpu.memory_space<semaphore_mem>>) src(%dma_wait3A_51 : memref<4096xi32, #tpu.memory_space<hbm>>) dst(%arg12 : memref<4096xi32, #tpu.memory_space<vmem>>)
      %dma_wait3A_52 = arith.constant 0 : i32
      %dma_wait3A_53 = tpu.memref_slice %arg4[%dma_wait3A_52] : memref<4194304xi32, #tpu.memory_space<hbm>> -> memref<4096xi32, #tpu.memory_space<hbm>>
      %dma_wait3A_54 = arith.constant 0 : i32
      %dma_wait3A_55 = tpu.memref_slice %arg4[%dma_wait3A_54] : memref<4194304xi32, #tpu.memory_space<hbm>> -> memref<4096xi32, #tpu.memory_space<hbm>>
      tpu.wait_dma2 semaphore(%arg16 : memref<!tpu.dma_semaphore, #tpu.memory_space<semaphore_mem>>) src(%dma_wait3A_55 : memref<4096xi32, #tpu.memory_space<hbm>>) dst(%arg13 : memref<4096xi32, #tpu.memory_space<vmem>>)
      %dma_wait3A_56 = arith.constant 0 : i32
      %dma_wait3A_57 = tpu.memref_slice %arg5[%dma_wait3A_56] : memref<4194304xf32, #tpu.memory_space<hbm>> -> memref<4096xf32, #tpu.memory_space<hbm>>
      %dma_wait3A_58 = arith.constant 0 : i32
      %dma_wait3A_59 = tpu.memref_slice %arg5[%dma_wait3A_58] : memref<4194304xf32, #tpu.memory_space<hbm>> -> memref<4096xf32, #tpu.memory_space<hbm>>
      tpu.wait_dma2 semaphore(%arg16 : memref<!tpu.dma_semaphore, #tpu.memory_space<semaphore_mem>>) src(%dma_wait3A_59 : memref<4096xf32, #tpu.memory_space<hbm>>) dst(%arg14 : memref<4096xf32, #tpu.memory_space<vmem>>)
      %parallel_loop3A_60 = arith.constant 0 : i32
      %parallel_loop3A_61 = arith.constant 256 : i32
      %parallel_loop3A_62 = arith.constant 1 : i32
      scf.for %parallel_loop3A_63 = %parallel_loop3A_60 to %parallel_loop3A_61 step %parallel_loop3A_62  : i32 {
        %parallel_loop3A_64 = arith.constant 16 : i32
        %parallel_loop3A_65 = arith.muli %parallel_loop3A_63, %parallel_loop3A_64 : i32
        %parallel_loop3A_66 = arith.index_cast %parallel_loop3A_65 : i32 to index
        %parallel_loop3A_67 = tpu.vector_load %arg12[%parallel_loop3A_66] {strides = array<i32>} : memref<4096xi32, #tpu.memory_space<vmem>>, vector<16xi32>,
        %parallel_loop3A_68 = arith.index_cast %parallel_loop3A_65 : i32 to index
        %parallel_loop3A_69 = tpu.vector_load %arg13[%parallel_loop3A_68] {strides = array<i32>} : memref<4096xi32, #tpu.memory_space<vmem>>, vector<16xi32>,
        %parallel_loop3A_70 = arith.index_cast %parallel_loop3A_65 : i32 to index
        %parallel_loop3A_71 = tpu.vector_load %arg14[%parallel_loop3A_70] {strides = array<i32>} : memref<4096xf32, #tpu.memory_space<vmem>>, vector<16xf32>,
        %parallel_loop3A_72 = arith.constant 32767 : i32
        %parallel_loop3A_73 = vector.broadcast %parallel_loop3A_72 : i32 to vector<16xi32>
        %parallel_loop3A_74 = arith.andi %parallel_loop3A_67, %parallel_loop3A_73 : vector<16xi32>
        %parallel_loop3A_75 = tpu.vector_load_idx %arg7[%parallel_loop3A_74] : memref<32768xi32, #tpu.memory_space<vmem>>[vector<16xi32>], vector<16xi32>,
        %parallel_loop3A_76 = arith.constant 11 : i32
        %parallel_loop3A_77 = vector.broadcast %parallel_loop3A_76 : i32 to vector<16xi32>
        %parallel_loop3A_78 = arith.shrui %parallel_loop3A_67, %parallel_loop3A_77 : vector<16xi32>
        %parallel_loop3A_79 = arith.constant 16 : i32
        %parallel_loop3A_80 = vector.broadcast %parallel_loop3A_79 : i32 to vector<16xi32>
        %parallel_loop3A_81 = arith.andi %parallel_loop3A_78, %parallel_loop3A_80 : vector<16xi32>
        %parallel_loop3A_82 = arith.shrui %parallel_loop3A_75, %parallel_loop3A_81 : vector<16xi32>
        %parallel_loop3A_83 = arith.constant 16 : i32
        %parallel_loop3A_84 = vector.broadcast %parallel_loop3A_83 : i32 to vector<16xi32>
        %parallel_loop3A_85 = arith.shli %parallel_loop3A_82, %parallel_loop3A_84 : vector<16xi32>
        %parallel_loop3A_86 = vector.bitcast %parallel_loop3A_85 : vector<16xi32> to vector<16xf32>
        %parallel_loop3A_87 = arith.mulf %parallel_loop3A_86, %parallel_loop3A_71 : vector<16xf32>
        tpu.vector_store_idx %arg8[%parallel_loop3A_69], %parallel_loop3A_87 {add = true} : memref<65536xf32, #tpu.memory_space<vmem>>[vector<16xi32>], vector<16xf32>,
      } {sc.loop_unroll_factor = 8 : i64, sc.parallel_access}
    }
    %scan3A_17 = arith.constant 16 : i32
    "tpu.region"() ({
      %run_scoped3A = tpu.sem_alloc : memref<!tpu.dma_semaphore, #tpu.memory_space<semaphore_mem>>
      %dma_start3A_18 = arith.constant 0 : i32
      %dma_start3A_19 = tpu.memref_slice %arg6[%add3A, %dma_start3A_18] : memref<32x65536xf32, #tpu.memory_space<hbm>> -> memref<1x65536xf32, #tpu.memory_space<hbm>>
      %dma_start3A_20 = tpu.memref_squeeze %dma_start3A_19 : memref<1x65536xf32, #tpu.memory_space<hbm>> -> memref<65536xf32, #tpu.memory_space<hbm>>
      %dma_start3A_21 = arith.constant 0 : i32
      %dma_start3A_22 = tpu.memref_slice %arg6[%add3A, %dma_start3A_21] : memref<32x65536xf32, #tpu.memory_space<hbm>> -> memref<1x65536xf32, #tpu.memory_space<hbm>>
      %dma_start3A_23 = tpu.memref_squeeze %dma_start3A_22 : memref<1x65536xf32, #tpu.memory_space<hbm>> -> memref<65536xf32, #tpu.memory_space<hbm>>
      tpu.enqueue_dma source(%arg8 : memref<65536xf32, #tpu.memory_space<vmem>>) target(%dma_start3A_23 : memref<65536xf32, #tpu.memory_space<hbm>>) target_semaphore(%run_scoped3A : memref<!tpu.dma_semaphore, #tpu.memory_space<semaphore_mem>>)
      %dma_wait3A = arith.constant 0 : i32
      %dma_wait3A_24 = tpu.memref_slice %arg6[%add3A, %dma_wait3A] : memref<32x65536xf32, #tpu.memory_space<hbm>> -> memref<1x65536xf32, #tpu.memory_space<hbm>>
      %dma_wait3A_25 = tpu.memref_squeeze %dma_wait3A_24 : memref<1x65536xf32, #tpu.memory_space<hbm>> -> memref<65536xf32, #tpu.memory_space<hbm>>
      %dma_wait3A_26 = arith.constant 0 : i32
      %dma_wait3A_27 = tpu.memref_slice %arg6[%add3A, %dma_wait3A_26] : memref<32x65536xf32, #tpu.memory_space<hbm>> -> memref<1x65536xf32, #tpu.memory_space<hbm>>
      %dma_wait3A_28 = tpu.memref_squeeze %dma_wait3A_27 : memref<1x65536xf32, #tpu.memory_space<hbm>> -> memref<65536xf32, #tpu.memory_space<hbm>>
      tpu.wait_dma2 semaphore(%run_scoped3A : memref<!tpu.dma_semaphore, #tpu.memory_space<semaphore_mem>>) src(%arg8 : memref<65536xf32, #tpu.memory_space<vmem>>) dst(%dma_wait3A_28 : memref<65536xf32, #tpu.memory_space<hbm>>)
      tpu.yield
    }) : () -> ()
    return
  }
}

module attributes {stable_mosaic.version = 14 : i64} {
  func.func @_combine_body(%arg0: memref<32x65536xf32, #tpu.memory_space<vmem>>, %arg1: memref<65536xf32, #tpu.memory_space<vmem>>, %arg2: memref<65536xf32, #tpu.memory_space<vmem>>) attributes {dimension_semantics = [], scalar_prefetch = 0 : i64, scratch_operands = 0 : i64, tpu.core_type = #tpu.core_type<tc>} {
    %get3A = arith.constant 0 : index
    %get3A_0 = arith.constant 0 : index
    %get3A_1 = vector.load %arg0[%get3A, %get3A_0] : memref<32x65536xf32, #tpu.memory_space<vmem>>, vector<32x65536xf32>
    %reduce_sum3A = arith.constant dense<0.000000e+00> : vector<65536xf32>
    %reduce_sum3A_2 = vector.multi_reduction <add>, %get3A_1, %reduce_sum3A [0] : vector<32x65536xf32> to vector<65536xf32>
    %get3A_3 = arith.constant 0 : index
    %get3A_4 = vector.load %arg1[%get3A_3] : memref<65536xf32, #tpu.memory_space<vmem>>, vector<65536xf32>
    %add3A = arith.addf %reduce_sum3A_2, %get3A_4 : vector<65536xf32>
    %swap3A = arith.constant 0 : index
    %swap3A_5 = vector.load %arg2[%swap3A] : memref<65536xf32, #tpu.memory_space<vmem>>, vector<65536xf32>
    tpu.vector_store %arg2[%swap3A], %add3A {strides = array<i32>} : memref<65536xf32, #tpu.memory_space<vmem>>, vector<65536xf32>,
    return
  }
}

module attributes {stable_mosaic.version = 14 : i64} {
  func.func @_pack_body(%arg0: memref<65536xf32, #tpu.memory_space<vmem>>, %arg1: memref<32768xi32, #tpu.memory_space<vmem>>) attributes {dimension_semantics = [], scalar_prefetch = 0 : i64, scratch_operands = 0 : i64, tpu.core_type = #tpu.core_type<tc>} {
    %get3A = arith.constant 0 : index
    %get3A_0 = vector.load %arg0[%get3A] : memref<65536xf32, #tpu.memory_space<vmem>>, vector<32768xf32>
    %convert_element_type3A = arith.truncf %get3A_0 : vector<32768xf32> to vector<32768xbf16>
    %bitcast_convert_type3A = tpu.bitcast %convert_element_type3A : vector<32768xbf16> -> vector<32768xi16>
    %get3A_1 = arith.constant 32768 : index
    %get3A_2 = vector.load %arg0[%get3A_1] : memref<65536xf32, #tpu.memory_space<vmem>>, vector<32768xf32>
    %convert_element_type3A_3 = arith.truncf %get3A_2 : vector<32768xf32> to vector<32768xbf16>
    %bitcast_convert_type3A_4 = tpu.bitcast %convert_element_type3A_3 : vector<32768xbf16> -> vector<32768xi16>
    %convert_element_type3A_5 = arith.extui %bitcast_convert_type3A : vector<32768xi16> to vector<32768xi32>
    %convert_element_type3A_6 = arith.extui %bitcast_convert_type3A_4 : vector<32768xi16> to vector<32768xi32>
    %shift_left3A = arith.constant 16 : i32
    %shift_left3A_7 = vector.broadcast %shift_left3A : i32 to vector<32768xi32>
    %shift_left3A_8 = arith.shli %convert_element_type3A_6, %shift_left3A_7 : vector<32768xi32>
    %or3A = arith.ori %convert_element_type3A_5, %shift_left3A_8 : vector<32768xi32>
    %bitcast_convert_type3A_9 = tpu.bitcast %or3A : vector<32768xi32> -> vector<32768xi32>
    %swap3A = arith.constant 0 : index
    %swap3A_10 = vector.load %arg1[%swap3A] : memref<32768xi32, #tpu.memory_space<vmem>>, vector<32768xi32>
    tpu.vector_store %arg1[%swap3A], %bitcast_convert_type3A_9 {strides = array<i32>} : memref<32768xi32, #tpu.memory_space<vmem>>, vector<32768xi32>,
    return
  }
}

</mosaic_0001>

<sc_bundles>
// kernel: kernel.5.cloned.1.call-start
scs
__scs_entry_jumppad:
0x0: {  	(pc) =	sbr.rel $0x88, $3  }
0x1: {  	(tag) =	ssettag $0x0;
	lr =	simm.s32 $0x1  }
0x2: {  	[smem:$0x3F9C] =	sst lr;
	_ =	strace $0xD0000000  }
0x3: {  	_ = 	snop  }
0x4: {  	_ = 	snop  }
0x5: {  	_ = 	snop  }
0x6: {  	_ = 	snop  }
0x7: {  	_ = 	snop  }
__scs_overlays_trampoline_lowered:
0x8: {  	[smem:$0x3FAB] =	sst s0  }
0x9: {  	[smem:$0x3FAC] =	sst s1  }
0xa: {  	[smem:$0x3FAD] =	sst s2  }
0xb: {  	[smem:$0x3FAE] =	sst s3  }
0xc: {  	[smem:$0x3FAF] =	sst s4  }
0xd: {  	[smem:$0x3FB0] =	sst s5  }
0xe: {  	[smem:$0x3FB1] =	sst s6  }
0xf: {  	[smem:$0x3FB2] =	sst s7  }
0x10: {  	[smem:$0x3FB3] =	sst s8  }
0x11: {  	[smem:$0x3FB4] =	sst s9;
	s0 =	simm.s32 @!p0 $0x0  }
0x12: {  	s1 =	sld [smem:$0x3F9A];
	s0 =	simm.s32 @p0 $0x1  }
0x13: {  	[smem:$0x3FB5] =	sst s0;
	s0 =	simm.s32 @!p1 $0x0  }
0x14: {  	s2 =	sld [smem:$0x3F99];
	s0 =	simm.s32 @p1 $0x1  }
0x15: {  	[smem:$0x3FB6] =	sst s0;
	s0 =	simm.s32 @!p2 $0x0  }
0x16: {  	s3 =	sld [smem:$0x3FDB];
	s0 =	simm.s32 @p2 $0x1  }
0x17: {  	s4 =	simm.s32 $0x1BF5;
	[smem:$0x3FB8] =	sst s0  }
0x18: {  	s0 =	sld [smem:$0x3F9B];
	_ =	swait.ge [sflag:s4], $0x0  }
0x19: {  	s7 =	sld [smem:$0x3F9C]  }
0x1a: {  	s8 =	sadd.s32 $0xFFFFE003, lr  }
0x1b: {  	s9 =	sadd.s32 $0xFFFFFEF7, lr;
	s5 =	simm.s32 $0xFFFFFFFF;
	p2 =	slt.u32 s8, $0xFFFFF086  }
0x1c: {  	p1 =	slt.u32 s9, $0xF7A;
	s5 =	simm.s32 @!p2 $0x0  }
0x1d: {  	s5 =	simm.s32 @p1 $0x1;
	p0 =	seq.s32 s7, s2  }
0x1e: {  	s7 =	smul.u32 @!p0 $0xF7A, s2;
	p2 =	seq.s32 @!p0 s5, $0x0  }
0x1f: {  	s9 =	smul.u32 $0xF7A, s1;
	s8 =	simm.s32 @!p0 $0x1BF5;
	p2 =	por !p2, p0  }
0x20: {  	[sflag:s8] =	ssyncset.s32 @!p0 $0xFFFFF086;
	s6 =	sadd.s32 @!p0 s3, s7;
	s7 =	simm.s32 @!p0 $0x108  }
0x21: {  	s3 =	sadd.s32 s3, s9;
	s6 =	sadd.s32 @!p0 $0x88, s6;
	s7 =	simm.s32 @p2 $0x1082  }
0x22: {  	[simem:s7], [sflag:s8] =	dma.local @!p0 [hbm:s6], $0xF7A  }
0x23: {  	s9 =	sor.u32 $0xD0000000, s2;
	s6 =	simm.s32 $0x108;
	_ =	swait.ge @!p0 [sflag:s8], $0x0  }
0x24: {  	s3 =	sadd.s32 $0x88, s3;
	s6 =	simm.s32 @!p1 $0x1082;
	[sflag:s4] =	ssyncset.s32 $0xFFFFF086  }
0x25: {  	[simem:s6], [sflag:s4] =	dma.local [hbm:s3], $0xF7A  }
0x26: {  	[smem:$0x3F9C] =	sst s1;
	(tag) =	ssettag s2;
	_ =	strace s9  }
0x27: {  	s1 =	sld [smem:$0x3FAC]  }
0x28: {  	s2 =	sld [smem:$0x3FAD]  }
0x29: {  	s4 =	sld [smem:$0x3FAF]  }
0x2a: {  	p0 =	seq.s32 s5, $0x0;
	s5 =	sld [smem:$0x3FB0]  }
0x2b: {  	s6 =	sld [smem:$0x3FB1]  }
0x2c: {  	s7 =	sld [smem:$0x3FB2]  }
0x2d: {  	s3 =	simm.s32 $0x108;
	s8 =	sld [smem:$0x3FB3]  }
0x2e: {  	s3 =	simm.s32 @!p0 $0x1082;
	s9 =	sld [smem:$0x3FB4]  }
0x2f: {  	lr =	sadd.s32 s0, s3;
	s0 =	sld [smem:$0x3FAB]  }
0x30: {  	s3 =	sld [smem:$0x3FAE]  }
0x31: {  	[smem:$0x3FB7] =	sst s10  }
0x32: {  	s10 =	sld [smem:$0x3FB5];
	_ =	sdelay $0x3  }
0x33: {  	p0 =	seq.s32 s10, $0x1;
	s10 =	sld [smem:$0x3FB7];
	_ =	sdelay $0x3  }
0x34: {  	[smem:$0x3FB7] =	sst s10  }
0x35: {  	s10 =	sld [smem:$0x3FB6];
	_ =	sdelay $0x3  }
0x36: {  	p1 =	seq.s32 s10, $0x1;
	s10 =	sld [smem:$0x3FB7];
	_ =	sdelay $0x3  }
0x37: {  	[smem:$0x3FB7] =	sst s10  }
0x38: {  	s10 =	sld [smem:$0x3FB8]  }
0x39: {  	_ = 	snop;
	(pc) =	sbr.ind lr, $3  }
0x3a: {  	_ = 	snop  }
0x3b: {  	_ = 	snop  }
0x3c: {  	p2 =	seq.s32 s10, $0x1;
	s10 =	sld [smem:$0x3FB7]  }
0x3d: {  	_ =	shalt  }
0x3e: {  	_ =	shalt  }
0x3f: {  	_ =	shalt  }
0x40: {  	_ =	shalt  }
0x41: {  	_ =	shalt  }
0x42: {  	_ =	shalt  }
0x43: {  	_ =	shalt  }
0x44: {  	_ =	shalt  }
0x45: {  	_ =	shalt  }
0x46: {  	_ =	shalt  }
0x47: {  	_ =	shalt  }
0x48: {  	_ =	shalt  }
0x49: {  	_ =	shalt  }
0x4a: {  	_ =	shalt  }
0x4b: {  	_ =	shalt  }
0x4c: {  	_ =	shalt  }
0x4d: {  	_ =	shalt  }
0x4e: {  	_ =	shalt  }
0x4f: {  	_ =	shalt  }
0x50: {  	_ =	shalt  }
0x51: {  	_ =	shalt  }
0x52: {  	_ =	shalt  }
0x53: {  	_ =	shalt  }
0x54: {  	_ =	shalt  }
0x55: {  	_ =	shalt  }
0x56: {  	_ =	shalt  }
0x57: {  	_ =	shalt  }
0x58: {  	_ =	shalt  }
0x59: {  	_ =	shalt  }
0x5a: {  	_ =	shalt  }
0x5b: {  	_ =	shalt  }
0x5c: {  	_ =	shalt  }
0x5d: {  	_ =	shalt  }
0x5e: {  	_ =	shalt  }
0x5f: {  	_ =	shalt  }
0x60: {  	_ =	shalt  }
0x61: {  	_ =	shalt  }
0x62: {  	_ =	shalt  }
0x63: {  	_ =	shalt  }
0x64: {  	_ =	shalt  }
0x65: {  	_ =	shalt  }
0x66: {  	_ =	shalt  }
0x67: {  	_ =	shalt  }
0x68: {  	_ =	shalt  }
0x69: {  	_ =	shalt  }
0x6a: {  	_ =	shalt  }
0x6b: {  	_ =	shalt  }
0x6c: {  	_ =	shalt  }
0x6d: {  	_ =	shalt  }
0x6e: {  	_ =	shalt  }
0x6f: {  	_ =	shalt  }
0x70: {  	_ =	shalt  }
0x71: {  	_ =	shalt  }
0x72: {  	_ =	shalt  }
0x73: {  	_ =	shalt  }
0x74: {  	_ =	shalt  }
0x75: {  	_ =	shalt  }
0x76: {  	_ =	shalt  }
0x77: {  	_ =	shalt  }
0x78: {  	_ =	shalt  }
0x79: {  	_ =	shalt  }
0x7a: {  	_ =	shalt  }
0x7b: {  	_ =	shalt  }
0x7c: {  	_ =	shalt  }
0x7d: {  	_ =	shalt  }
0x7e: {  	_ =	shalt  }
0x7f: {  	_ =	shalt  }
0x80: {  	_ =	shalt  }
0x81: {  	_ =	shalt  }
0x82: {  	_ =	shalt  }
0x83: {  	_ =	shalt  }
0x84: {  	_ =	shalt  }
0x85: {  	_ =	shalt  }
0x86: {  	_ =	shalt  }
0x87: {  	_ =	shalt  }
.Lfunc_end0:
.L_simem_size_0:
called_computation_lowered:
.L_overlay_start_0:
0x88: {  	s2 =	sld [smem:$0x3FD9]  }
0x89: {  	s3 =	sld [smem:$0x3FFE];
	_ =	sdelay $0x1  }
0x8a: {  	s1 =	srdreg.scid  }
0x8b: {  	s0 =	sand.u32 $0x1, s1  }
0x8c: {  	s17 =	sshll.u32 s0, $0xA;
	s2 =	sadd.s32 s3, s2  }
0x8d: {  	s2 =	sadd.s32 s2, s17  }
0x8e: {  	[smem:$0x3FC3] =	sst s2  }
0x8f: {  	_ = 	snop  }
0x90: {  	s2 =	sld [smem:$0x3FC8]  }
0x91: {  	s18 =	sld [smem:$0x3FC7]  }
0x92: {  	s4 =	sld [smem:$0x3FC6]  }
0x93: {  	s5 =	sld [smem:$0x3FD0];
	(tm) =	ssettm $0x1  }
0x94: {  	s6 =	sld [smem:$0x3FFB];
	_ =	sdelay $0x3  }
0x95: {  	_ =	strace s6  }
0x96: {  	s6 =	sld [smem:$0x3FFC];
	_ =	sdelay $0x3  }
0x97: {  	_ =	strace s6  }
0x98: {  	s6 =	sld [smem:$0x3FFD];
	_ =	sdelay $0x3  }
0x99: {  	_ =	strace s6  }
0x9a: {  	_ =	strace $0x8FFFFFFF  }
0x9b: {  	s19 =	sld [smem:$0x3FDB];
	_ =	sdelay $0x1  }
0x9c: {  	s7 =	simm.s32 $_scs_section_size  }
0x9d: {  	s8 =	simm.s32 $_size__tile_overlayer_lowered;
	s9 =	simm.s32 $_tile_overlayer_lowered  }
0x9e: {  	s22 =	simm.s32 $0x1BFF;
	s21 =	sshll.u32 s9, $0x1;
	s6 =	sadd.s32 s7, s19  }
0x9f: {  	s10 =	simm.s32 $0x0;
	s20 =	sshll.u32 s8, $0x1;
	s8 =	sadd.s32 s21, s6  }
0xa0: {  	[timem:s10], [sflag:s22] =	dma.local [hbm:s8], s20  }
0xa1: {  	_ =	swait.ge [sflag:s22], s20  }
0xa2: {  	s7 =	ssub.s32 $0x0, s20;
	[sflag:s22] =	ssyncset.done $0x0  }
0xa3: {  	[sflag:s22] =	ssyncadd.s32 s7;
	_ =	sdelay $0x1  }
0xa4: {  	s23 =	simm.s32 $0x1B8B  }
0xa5: {  	_ =	swait.ge [sflag:s23], $0x1  }
0xa6: {  	[sflag:s23] =	ssyncset.done $0x0  }
0xa7: {  	s25 =	simm.s32 $0x1B8E;
	s24 =	sld [smem:$0x3FFE];
	[sflag:s23] =	ssyncadd.s32 $0xFFFFFFFF  }
0xa8: {  	s26 =	simm.s32 $execute0_lowered;
	[smem:$0x3FD2] =	sst s25  }
0xa9: {  	s8 =	sshll.u32 s26, $0x1;
	_ =	strace $0x80000046;
	[dreg:$0x1] =	wrdreg $0xFFFFFFFF  }
0xaa: {  	s28 =	simm.s32 $_size_execute0_lowered;
	s6 =	sadd.s32 s6, s8;
	[dreg:$0x0] =	wrdreg $0x0  }
0xab: {  	s8 =	sshll.u32 s28, $0x1;
	[dreg:$0x2] =	wrdreg s6  }
0xac: {  	[dreg:$0x3] =	wrdreg s8  }
0xad: {  	[dreg:$0x4] =	wrdreg $0xC0  }
0xae: {  	_ =	task [dreg:s10], $0x5FFFF  }
0xaf: {  	[dreg:$0x1] =	wrdreg $0xFFFFFFFF  }
0xb0: {  	[dreg:$0x0] =	wrdreg $0x60  }
0xb1: {  	[dreg:$0x2] =	wrdreg s5  }
0xb2: {  	[dreg:$0x3] =	wrdreg s2  }
0xb3: {  	[dreg:$0x4] =	wrdreg s18  }
0xb4: {  	[dreg:$0x5] =	wrdreg s4  }
0xb5: {  	[dreg:$0x6] =	wrdreg s24  }
0xb6: {  	[dreg:$0x7] =	wrdreg $0x9  }
0xb7: {  	_ =	task.clear_ibuf [dreg:s10], $0x8FFFF;
	_ =	strace $0x90000046  }
0xb8: {  	s29 =	simm.s32 $0x9;
	_ =	strace $0x80000048  }
0xb9: {  	_ =	swait.ge [sflag:s29], $0x1  }
0xba: {  	[sflag:s29] =	ssyncadd.s32 $0xFFFFFFFF  }
0xbb: {  	_ =	strace $0x90000048  }
0xbc: {  	_ =	sfence  }
0xbd: {  	s30 =	sld [smem:$0x0];
	_ =	sdelay $0x2  }
0xbe: {  	s31 =	sshll.u32 s1, $0xD;
	s1 =	sshrl.u32 s1, $0x2  }
0xbf: {  	s3 =	sand.u32 $0x4000, s31;
	s1 =	sadd.s32 s1, s30  }
0xc0: {  	s0 =	sor.u32 s3, s0;
	s1 =	sshll.u32 s1, $0x11  }
0xc1: {  	s0 =	sor.u32 s1, s0  }
0xc2: {  	s0 =	sadd.s32 $0x8F2B, s0  }
0xc3: {  	[sflag:s0] =	ssyncadd.remote.s32 $0x1  }
0xc4: {  	_ =	sfence.sel $0xFFFF  }
0xc5: {  	[dreg:$0x0] =	wrdreg $0xFFFFFFFF;
	(pc) =	sbr.abs _section_cstart, $3  }
0xc6: {  	[dreg:$0x1] =	wrdreg $0xFFFFFFFF  }
0xc7: {  	_ =	task.clear_ibuf [dreg:s10], $0x2FFFF;
	_ =	strace $0x9FFFFFFF  }
0xc8: {  	(tm) =	ssettm $0x7FFFFFFF  }
0xc9: {  	_ =	shalt  }
tec
execute0_lowered:
.L_overlay_start_1:
0x0: {  	(tag) =	ssettag $0x1  }
0x1: {  	s2 =	rddreg [dreg:$0x1]  }
0x2: {  	s3 =	rddreg [dreg:$0x2]  }
0x3: {  	s4 =	rddreg [dreg:$0x3]  }
0x4: {  	s0 =	rddreg [dreg:$0x4]  }
0x5: {  	s6 =	simm.s32 $0x0;
	s1 =	srdreg.scid;
	s8 =	stileid.u32  }
0x6: {  	s14 =	simm.s32 $0x3;
	s15 =	simm.s32 $0x18000;
	s16 =	simm.s32 $0x19000  }
0x7: {  	s17 =	simm.s32 $0x1A000;
	s18 =	simm.s32 $0x1B000;
	s19 =	simm.s32 $0x1C000  }
0x8: {  	s20 =	simm.s32 $0x1D000;
	s21 =	simm.s32 $0x1;
	s22 =	simm.s32 $0x8000  }
0x9: {  	s23 =	simm.s32 $0x2;
	s24 =	simm.s32 $0x80;
	s25 =	simm.s32 $0x400  }
0xa: {  	s26 =	simm.s32 $0x4;
	s28 =	simm.s32 $0x0;
	[smem:$0x7FF] =	sst s6  }
0xb: {  	s1 =	sand.u32 $0x1, s1;
	s5 =	sshll.u32 s8, $0xE;
	s8 =	sshll.u32 s8, $0x1  }
0xc: {  	_ =	strace $0x80000047;
	s7 =	ssub.s32 $0x2, s1;
	s1 =	sor.u32 s1, s8  }
0xd: {  	s5 =	sand.u32 $0x30000, s5;
	s9 =	sshrl.u32 s7, $0x1;
	s8 =	sshll.u32 s1, $0x4  }
0xe: {  	s31 =	ssub.s32 s7, s9;
	s7 =	sshll.u32 s1, $0x11;
	s1 =	sshll.u32 s1, $0xE  }
0xf: {  	s0 =	sadd.s32 s5, s0;
	s10 =	sand.u32 $0x70, s8;
	s8 =	sadd.s32 s2, s1  }
0x10: {  	s9 =	sadd.s32 s3, s1;
	s0 =	sadd.s32 s10, s0;
	s10 =	sadd.s32 s4, s1  }
0x11: {  	v0 =	vimm.f32 $0.0e+00;
	s11 =	sor.u32 $0x2000, s7;
	s13 =	smax.u32 s31, $0x1;
	s12 =	sadd.s32 $0xC00, s0  }
.LBB2_1:
0x12: {  	s0 =	rddreg [dreg:$0x0]  }
0x13: {  	[tilespmem:s6], [sflag:$0x3] =	stream.linear.gather [hbm4b:s0+s6], $0x8000, $0x38;
	[tilespmem:$0x1E000] =	vst v63  }
0x14: {  	s0 =	simm.s32 $0x8040  }
0x15: {  	[tilespmem:s0+$0xFFFFFFC0] =	vst v0  }
0x16: {  	[tilespmem:s0+$0x30] =	vst v0  }
0x17: {  	[tilespmem:s0+$0x20] =	vst v0  }
0x18: {  	[tilespmem:s0+$0x10] =	vst v0  }
0x19: {  	[tilespmem:s0+$0x0] =	vst v0  }
0x1a: {  	[tilespmem:s0+$0xFFFFFFF0] =	vst v0  }
0x1b: {  	s1 =	simm.s32 $0x0;
	[tilespmem:s0+$0xFFFFFFE0] =	vst v0  }
.LBB2_2:
0x1c: {  	s1 =	sadd.s32 $0x8, s1;
	[tilespmem:s0+$0xFFFFFFD0] =	vst v0;
	s0 =	sadd.s32 $0x80, s0  }
0x1d: {  	[tilespmem:s0+$0xFFFFFFC0] =	vst v0;
	p0 =	slt.u32 s1, $0xFF8  }
0x1e: {  	[tilespmem:s0+$0x30] =	vst v0  }
.Ltmp0:
0x1f: {  	[tilespmem:s0+$0x20] =	vst v0;
	(pc) =	sbr.rel @p0 .LBB2_2-.Ltmp0, $4  }
0x20: {  	[tilespmem:s0+$0x10] =	vst v0  }
0x21: {  	[tilespmem:s0+$0x0] =	vst v0  }
0x22: {  	[tilespmem:s0+$0xFFFFFFF0] =	vst v0  }
0x23: {  	[tilespmem:s0+$0xFFFFFFE0] =	vst v0  }
0x24: {  	[tilespmem:s0+$0xFFFFFFD0] =	vst v0  }
0x25: {  	_ =	swait.ge [sflag:s14], $0x8000  }
0x26: {  	[sflag:s14] =	ssyncset.done $0x0  }
0x27: {  	s29 =	simm.s32 $0x0;
	[sflag:s14] =	ssyncadd.s32 $0xFFFF8000  }
0x28: {  	[tilespmem:s15], [sflag:$0x1] =	stream.linear.gather [hbm4b:s8+s29], $0x1000, $0x38;
	[tilespmem:$0x1E000] =	vst v63  }
0x29: {  	_ = 	snop  }
0x2a: {  	[tilespmem:s16], [sflag:$0x1] =	stream.linear.gather [hbm4b:s9+s29], $0x1000, $0x38;
	[tilespmem:$0x1E000] =	vst v63  }
0x2b: {  	_ = 	snop  }
0x2c: {  	[tilespmem:s17], [sflag:$0x1] =	stream.linear.gather [hbm4b:s10+s29], $0x1000, $0x38;
	[tilespmem:$0x1E000] =	vst v63  }
.LBB2_4:
0x2d: {  	s30 =	sshll.u32 s29, $0xD  }
0x2e: {  	s0 =	sor.u32 s30, s7  }
0x2f: {  	s0 =	sshrl.u32 s0, $0x3  }
0x30: {  	s0 =	sor.u32 $0x200, s0  }
0x31: {  	s1 =	sadd.s32 s2, s0  }
0x32: {  	[tilespmem:s18], [sflag:$0x2] =	stream.linear.gather [hbm4b:s1+s6], $0x1000, $0x38;
	[tilespmem:$0x1E000] =	vst v63  }
0x33: {  	s5 =	sadd.s32 s3, s0  }
0x34: {  	[tilespmem:s19], [sflag:$0x2] =	stream.linear.gather [hbm4b:s5+s6], $0x1000, $0x38;
	[tilespmem:$0x1E000] =	vst v63  }
0x35: {  	s0 =	sadd.s32 s4, s0  }
0x36: {  	[tilespmem:s20], [sflag:$0x2] =	stream.linear.gather [hbm4b:s0+s6], $0x1000, $0x38;
	[tilespmem:$0x1E000] =	vst v63  }
0x37: {  	_ =	swait.ge [sflag:s21], $0x1000  }
0x38: {  	[sflag:s21] =	ssyncset.done $0x0  }
0x39: {  	[sflag:s21] =	ssyncadd.s32 $0xFFFFF000  }
0x3a: {  	_ =	swait.ge [sflag:s21], $0x1000  }
0x3b: {  	[sflag:s21] =	ssyncset.done $0x0  }
0x3c: {  	[sflag:s21] =	ssyncadd.s32 $0xFFFFF000  }
0x3d: {  	_ =	swait.ge [sflag:s21], $0x1000  }
0x3e: {  	[sflag:s21] =	ssyncset.done $0x0  }
0x3f: {  	s5 =	simm.s32 $0x18040;
	[sflag:s21] =	ssyncadd.s32 $0xFFFFF000  }
0x40: {  	v1 =	vld [tilespmem:s5+$0x30]  }
0x41: {  	v2 =	vld [tilespmem:s5+$0xFFFFFFD0]  }
0x42: {  	v3 =	vld [tilespmem:s5+$0xFFFFFFE0]  }
0x43: {  	v4 =	vld [tilespmem:s5+$0xFFFFFFF0]  }
0x44: {  	v6 =	vld [tilespmem:s5+$0x0]  }
0x45: {  	v8 =	vld [tilespmem:s5+$0xFFFFFFC0]  }
0x46: {  	v9 =	vld [tilespmem:s5+$0x10]  }
0x47: {  	s31 =	simm.s32 $0x19040;
	v10 =	vld [tilespmem:s5+$0x20]  }
0x48: {  	s0 =	simm.s32 $0x1A040;
	v15 =	vld [tilespmem:s31+$0x30]  }
0x49: {  	v17 =	vld [tilespmem:s0+$0x30]  }
0x4a: {  	v53 =	vld [tilespmem:s31+$0xFFFFFFC0]  }
0x4b: {  	v54 =	vld [tilespmem:s0+$0xFFFFFFC0];
	v5 =	vand.u32 $0x7FFF, v1  }
0x4c: {  	v55 =	vld [tilespmem:s0+$0xFFFFFFE0];
	v14 =	vand.u32 $0x7FFF, v8  }
0x4d: {  	v56 =	vld [tilespmem:s0+$0xFFFFFFF0]  }
0x4e: {  	v57 =	vld [tilespmem:s0+$0x0];
	v7 =	vand.u32 $0x7FFF, v2  }
0x4f: {  	v58 =	vld [tilespmem:s31+$0xFFFFFFE0];
	v11 =	vand.u32 $0x7FFF, v3  }
0x50: {  	v12 =	vand.u32 $0x7FFF, v4;
	v5 =	vld.idx.msk [tilespmem:v5+s6+$0x0], $0xffff  }
0x51: {  	v13 =	vand.u32 $0x7FFF, v6;
	v14 =	vld.idx.msk [tilespmem:v14+s6+$0x0], $0xffff  }
0x52: {  	v19 =	vld [tilespmem:s0+$0x10];
	v18 =	vand.u32 $0x7FFF, v10  }
0x53: {  	v1 =	vshrl.u32 v1, $0xB;
	v7 =	vld.idx.msk [tilespmem:v7+s6+$0x0], $0xffff  }
0x54: {  	v8 =	vshrl.u32 v8, $0xB;
	v1 =	vand.u32 $0x10, v1;
	v11 =	vld.idx.msk [tilespmem:v11+s6+$0x0], $0xffff  }
0x55: {  	v8 =	vand.u32 $0x10, v8;
	v12 =	vld.idx.msk [tilespmem:v12+s6+$0x0], $0xffff;
	v1 =	vshrl.u32 v5, v1  }
0x56: {  	v2 =	vshrl.u32 v2, $0xB;
	v13 =	vld.idx.msk [tilespmem:v13+s6+$0x0], $0xffff;
	v8 =	vshrl.u32 v14, v8;
	v1 =	vshll.u32 v1, $0x10  }
0x57: {  	v2 =	vand.u32 $0x10, v2;
	v18 =	vld.idx.msk [tilespmem:v18+s6+$0x0], $0xffff;
	v8 =	vshll.u32 v8, $0x10;
	v1 =	vmul.f32 v1, v17  }
0x58: {  	v16 =	vand.u32 $0x7FFF, v9;
	v2 =	vshrl.u32 v7, v2;
	v7 =	vld [tilespmem:s31+$0xFFFFFFF0];
	v8 =	vmul.f32 v8, v54  }
0x59: {  	[tilespmem:v15+s22+$0x0] =	vst.idx.add.f32.msk $0xffff, v1  }
0x5a: {  	[tilespmem:v53+s22+$0x0] =	vst.idx.add.f32.msk $0xffff, v8  }
0x5b: {  	v3 =	vshrl.u32 v3, $0xB;
	v4 =	vshrl.u32 v4, $0xB;
	v6 =	vshrl.u32 v6, $0xB;
	v8 =	vld [tilespmem:s31+$0xFFFFFFD0]  }
0x5c: {  	v9 =	vshrl.u32 v9, $0xB;
	v3 =	vand.u32 $0x10, v3;
	v4 =	vand.u32 $0x10, v4;
	v1 =	vld [tilespmem:s0+$0xFFFFFFD0]  }
0x5d: {  	v5 =	vld.idx.msk [tilespmem:v16+s6+$0x0], $0xffff;
	v11 =	vshrl.u32 v11, v3;
	v3 =	vand.u32 $0x10, v6;
	v6 =	vand.u32 $0x10, v9  }
0x5e: {  	v60 =	vld [tilespmem:s0+$0x20];
	v59 =	vshrl.u32 v12, v4;
	v4 =	vshrl.u32 v10, $0xB;
	v11 =	vshll.u32 v11, $0x10  }
0x5f: {  	v61 =	vshrl.u32 v13, v3;
	v3 =	vld [tilespmem:s31+$0x0];
	v9 =	vshll.u32 v59, $0x10;
	v11 =	vmul.f32 v11, v55  }
0x60: {  	v2 =	vshll.u32 v2, $0x10;
	v62 =	vand.u32 $0x10, v4;
	v4 =	vld [tilespmem:s31+$0x10];
	v9 =	vmul.f32 v9, v56  }
0x61: {  	[tilespmem:v58+s22+$0x0] =	vst.idx.add.f32.msk $0xffff, v11;
	v2 =	vmul.f32 v2, v1  }
0x62: {  	v63 =	vshrl.u32 v18, v62;
	v5 =	vshrl.u32 v5, v6;
	v6 =	vshll.u32 v61, $0x10;
	[tilespmem:v7+s22+$0x0] =	vst.idx.add.f32.msk $0xffff, v9  }
0x63: {  	v6 =	vmul.f32 v6, v57;
	[tilespmem:v8+s22+$0x0] =	vst.idx.add.f32.msk $0xffff, v2;
	v2 =	vshll.u32 v5, $0x10;
	v8 =	vshll.u32 v63, $0x10  }
0x64: {  	s1 =	simm.s32 $0x180C0;
	s5 =	simm.s32 $0x0;
	v1 =	vld [tilespmem:s31+$0x20];
	v5 =	vmul.f32 v2, v19;
	v2 =	vmul.f32 v8, v60  }
.LBB2_5:
0x65: {  	v7 =	vld [tilespmem:s1+$0x30];
	s5 =	sadd.s32 $0x8, s5  }
0x66: {  	v8 =	vld [tilespmem:s1+$0xFFFFFFD0];
	p0 =	slt.u32 s5, $0xF8  }
0x67: {  	v9 =	vld [tilespmem:s1+$0xFFFFFFE0]  }
0x68: {  	v10 =	vld [tilespmem:s1+$0xFFFFFFF0]  }
0x69: {  	v11 =	vld [tilespmem:s1+$0x0]  }
0x6a: {  	v12 =	vld [tilespmem:s1+$0x10];
	v13 =	vand.u32 $0x7FFF, v7  }
0x6b: {  	v14 =	vand.u32 $0x7FFF, v8;
	v8 =	vshrl.u32 v8, $0xB;
	v15 =	vld [tilespmem:s1+$0x20]  }
0x6c: {  	v16 =	vld [tilespmem:s1+$0xFFFFFFC0];
	v8 =	vand.u32 $0x10, v8;
	v17 =	vand.u32 $0x7FFF, v9;
	v9 =	vshrl.u32 v9, $0xB  }
0x6d: {  	v9 =	vand.u32 $0x10, v9;
	v18 =	vand.u32 $0x7FFF, v10;
	v10 =	vshrl.u32 v10, $0xB;
	[tilespmem:v3+s22+$0x0] =	vst.idx.add.f32.msk $0xffff, v6  }
0x6e: {  	v3 =	vand.u32 $0x10, v10;
	v6 =	vand.u32 $0x7FFF, v11;
	v10 =	vshrl.u32 v11, $0xB;
	[tilespmem:v4+s22+$0x0] =	vst.idx.add.f32.msk $0xffff, v5  }
0x6f: {  	v4 =	vand.u32 $0x10, v10;
	v5 =	vand.u32 $0x7FFF, v12;
	v10 =	vshrl.u32 v12, $0xB;
	v11 =	vld.idx.msk [tilespmem:v13+s6+$0x0], $0xffff  }
0x70: {  	s31 =	sadd.s32 $0x80, s31;
	v12 =	vld.idx.msk [tilespmem:v14+s6+$0x0], $0xffff;
	v10 =	vand.u32 $0x10, v10;
	v13 =	vand.u32 $0x7FFF, v15;
	v14 =	vshrl.u32 v15, $0xB  }
0x71: {  	s0 =	sadd.s32 $0x80, s0;
	v15 =	vand.u32 $0x7FFF, v16;
	v16 =	vshrl.u32 v16, $0xB;
	v14 =	vand.u32 $0x10, v14;
	v19 =	vld [tilespmem:s31+$0x30]  }
0x72: {  	v16 =	vand.u32 $0x10, v16;
	v20 =	vld [tilespmem:s0+$0x30]  }
0x73: {  	v7 =	vshrl.u32 v7, $0xB;
	v17 =	vld.idx.msk [tilespmem:v17+s6+$0x0], $0xffff  }
0x74: {  	v7 =	vand.u32 $0x10, v7;
	v18 =	vld.idx.msk [tilespmem:v18+s6+$0x0], $0xffff  }
0x75: {  	v7 =	vshrl.u32 v11, v7;
	v6 =	vld.idx.msk [tilespmem:v6+s6+$0x0], $0xffff  }
0x76: {  	v8 =	vshrl.u32 v12, v8;
	v7 =	vshll.u32 v7, $0x10;
	v11 =	vld.idx.msk [tilespmem:v15+s6+$0x0], $0xffff  }
0x77: {  	v8 =	vshll.u32 v8, $0x10;
	v5 =	vld.idx.msk [tilespmem:v5+s6+$0x0], $0xffff;
	v7 =	vmul.f32 v7, v20  }
0x78: {  	v12 =	vld.idx.msk [tilespmem:v13+s6+$0x0], $0xffff  }
0x79: {  	v9 =	vshrl.u32 v17, v9;
	[tilespmem:v19+s22+$0x0] =	vst.idx.add.f32.msk $0xffff, v7  }
0x7a: {  	v9 =	vshll.u32 v9, $0x10;
	v3 =	vshrl.u32 v18, v3;
	v7 =	vld [tilespmem:s0+$0xFFFFFFC0]  }
0x7b: {  	v3 =	vshll.u32 v3, $0x10;
	v4 =	vshrl.u32 v6, v4;
	v13 =	vld [tilespmem:s0+$0xFFFFFFD0]  }
0x7c: {  	v6 =	vshrl.u32 v11, v16;
	v4 =	vshll.u32 v4, $0x10;
	v11 =	vld [tilespmem:s0+$0xFFFFFFE0]  }
0x7d: {  	v6 =	vshll.u32 v6, $0x10;
	v5 =	vshrl.u32 v5, v10;
	v15 =	vld [tilespmem:s0+$0xFFFFFFF0]  }
0x7e: {  	v5 =	vshll.u32 v5, $0x10;
	v12 =	vshrl.u32 v12, v14;
	v10 =	vld [tilespmem:s0+$0x0]  }
0x7f: {  	v12 =	vshll.u32 v12, $0x10;
	v7 =	vmul.f32 v6, v7;
	v14 =	vld [tilespmem:s0+$0x10]  }
0x80: {  	v8 =	vmul.f32 v8, v13;
	v13 =	vld [tilespmem:s0+$0x20]  }
0x81: {  	v16 =	vld [tilespmem:s31+$0xFFFFFFC0];
	v9 =	vmul.f32 v9, v11  }
0x82: {  	v11 =	vld [tilespmem:s31+$0xFFFFFFD0];
	v15 =	vmul.f32 v3, v15  }
0x83: {  	v17 =	vld [tilespmem:s31+$0xFFFFFFE0];
	v6 =	vmul.f32 v4, v10  }
0x84: {  	v10 =	vld [tilespmem:s31+$0xFFFFFFF0];
	v5 =	vmul.f32 v5, v14  }
0x85: {  	v3 =	vld [tilespmem:s31+$0x0];
	v12 =	vmul.f32 v12, v13  }
0x86: {  	v4 =	vld [tilespmem:s31+$0x10]  }
0x87: {  	v13 =	vld [tilespmem:s31+$0x20]  }
.Ltmp1:
0x88: {  	[tilespmem:v1+s22+$0x0] =	vst.idx.add.f32.msk $0xffff, v2;
	v2 =	vmov v12;
	(pc) =	sbr.rel @p0 .LBB2_5-.Ltmp1, $4  }
0x89: {  	[tilespmem:v16+s22+$0x0] =	vst.idx.add.f32.msk $0xffff, v7  }
0x8a: {  	[tilespmem:v11+s22+$0x0] =	vst.idx.add.f32.msk $0xffff, v8  }
0x8b: {  	[tilespmem:v17+s22+$0x0] =	vst.idx.add.f32.msk $0xffff, v9  }
0x8c: {  	s1 =	sadd.s32 $0x80, s1;
	[tilespmem:v10+s22+$0x0] =	vst.idx.add.f32.msk $0xffff, v15;
	v1 =	vmov v13  }
0x8d: {  	_ =	sdelay $0x2  }
0x8e: {  	p0 =	seq.s32 s29, $0xF  }
0x8f: {  	[tilespmem:v3+s22+$0x0] =	vst.idx.add.f32.msk $0xffff, v6;
	s0 =	sadd.s32 @!p0 s30, s11  }
0x90: {  	[tilespmem:v4+s22+$0x0] =	vst.idx.add.f32.msk $0xffff, v5;
	s0 =	sshrl.u32 @!p0 s0, $0x3  }
0x91: {  	[tilespmem:v1+s22+$0x0] =	vst.idx.add.f32.msk $0xffff, v2;
	s5 =	simm.s32 @!p0 $0x0;
	s30 =	simm.s32 @!p0 $0x18000;
	s1 =	sadd.s32 @!p0 s2, s0  }
0x92: {  	[tilespmem:s30], [sflag:$0x1] =	stream.linear.gather @!p0 [hbm4b:s1+s5], $0x1000, $0x38;
	[tilespmem:$0x1E000] =	vst v63  }
0x93: {  	s1 =	sadd.s32 @!p0 s3, s0;
	s30 =	simm.s32 @!p0 $0x19000  }
0x94: {  	[tilespmem:s30], [sflag:$0x1] =	stream.linear.gather @!p0 [hbm4b:s1+s5], $0x1000, $0x38;
	[tilespmem:$0x1E000] =	vst v63  }
0x95: {  	s0 =	sadd.s32 @!p0 s4, s0;
	s1 =	simm.s32 @!p0 $0x1A000  }
0x96: {  	[tilespmem:s1], [sflag:$0x1] =	stream.linear.gather @!p0 [hbm4b:s0+s5], $0x1000, $0x38;
	[tilespmem:$0x1E000] =	vst v63  }
0x97: {  	_ =	swait.ge [sflag:s23], $0x1000  }
0x98: {  	[sflag:s23] =	ssyncset.done $0x0  }
0x99: {  	[sflag:s23] =	ssyncadd.s32 $0xFFFFF000  }
0x9a: {  	_ =	swait.ge [sflag:s23], $0x1000  }
0x9b: {  	[sflag:s23] =	ssyncset.done $0x0  }
0x9c: {  	[sflag:s23] =	ssyncadd.s32 $0xFFFFF000  }
0x9d: {  	_ =	swait.ge [sflag:s23], $0x1000  }
0x9e: {  	[sflag:s23] =	ssyncset.done $0x0  }
0x9f: {  	s31 =	simm.s32 $0x1B040;
	[sflag:s23] =	ssyncadd.s32 $0xFFFFF000  }
0xa0: {  	v1 =	vld [tilespmem:s31+$0x30]  }
0xa1: {  	v2 =	vld [tilespmem:s31+$0xFFFFFFD0]  }
0xa2: {  	v3 =	vld [tilespmem:s31+$0xFFFFFFE0]  }
0xa3: {  	v4 =	vld [tilespmem:s31+$0xFFFFFFF0]  }
0xa4: {  	v6 =	vld [tilespmem:s31+$0x0]  }
0xa5: {  	v8 =	vld [tilespmem:s31+$0xFFFFFFC0]  }
0xa6: {  	v9 =	vld [tilespmem:s31+$0x10]  }
0xa7: {  	s30 =	simm.s32 $0x1C040;
	v10 =	vld [tilespmem:s31+$0x20]  }
0xa8: {  	s0 =	simm.s32 $0x1D040;
	v15 =	vld [tilespmem:s30+$0x30]  }
0xa9: {  	v17 =	vld [tilespmem:s0+$0x30]  }
0xaa: {  	v53 =	vld [tilespmem:s30+$0xFFFFFFC0]  }
0xab: {  	v54 =	vld [tilespmem:s0+$0xFFFFFFC0];
	v5 =	vand.u32 $0x7FFF, v1  }
0xac: {  	v55 =	vld [tilespmem:s0+$0xFFFFFFE0];
	v14 =	vand.u32 $0x7FFF, v8  }
0xad: {  	v56 =	vld [tilespmem:s0+$0xFFFFFFF0]  }
0xae: {  	v57 =	vld [tilespmem:s0+$0x0];
	v7 =	vand.u32 $0x7FFF, v2  }
0xaf: {  	v58 =	vld [tilespmem:s30+$0xFFFFFFE0];
	v11 =	vand.u32 $0x7FFF, v3  }
0xb0: {  	v12 =	vand.u32 $0x7FFF, v4;
	v5 =	vld.idx.msk [tilespmem:v5+s6+$0x0], $0xffff  }
0xb1: {  	v13 =	vand.u32 $0x7FFF, v6;
	v14 =	vld.idx.msk [tilespmem:v14+s6+$0x0], $0xffff  }
0xb2: {  	v19 =	vld [tilespmem:s0+$0x10];
	v18 =	vand.u32 $0x7FFF, v10  }
0xb3: {  	v1 =	vshrl.u32 v1, $0xB;
	v7 =	vld.idx.msk [tilespmem:v7+s6+$0x0], $0xffff  }
0xb4: {  	v8 =	vshrl.u32 v8, $0xB;
	v1 =	vand.u32 $0x10, v1;
	v11 =	vld.idx.msk [tilespmem:v11+s6+$0x0], $0xffff  }
0xb5: {  	v8 =	vand.u32 $0x10, v8;
	v12 =	vld.idx.msk [tilespmem:v12+s6+$0x0], $0xffff;
	v1 =	vshrl.u32 v5, v1  }
0xb6: {  	v2 =	vshrl.u32 v2, $0xB;
	v13 =	vld.idx.msk [tilespmem:v13+s6+$0x0], $0xffff;
	v8 =	vshrl.u32 v14, v8;
	v1 =	vshll.u32 v1, $0x10  }
0xb7: {  	v2 =	vand.u32 $0x10, v2;
	v18 =	vld.idx.msk [tilespmem:v18+s6+$0x0], $0xffff;
	v8 =	vshll.u32 v8, $0x10;
	v1 =	vmul.f32 v1, v17  }
0xb8: {  	v16 =	vand.u32 $0x7FFF, v9;
	v2 =	vshrl.u32 v7, v2;
	v7 =	vld [tilespmem:s30+$0xFFFFFFF0];
	v8 =	vmul.f32 v8, v54  }
0xb9: {  	[tilespmem:v15+s22+$0x0] =	vst.idx.add.f32.msk $0xffff, v1  }
0xba: {  	[tilespmem:v53+s22+$0x0] =	vst.idx.add.f32.msk $0xffff, v8  }
0xbb: {  	v3 =	vshrl.u32 v3, $0xB;
	v4 =	vshrl.u32 v4, $0xB;
	v6 =	vshrl.u32 v6, $0xB;
	v8 =	vld [tilespmem:s30+$0xFFFFFFD0]  }
0xbc: {  	v9 =	vshrl.u32 v9, $0xB;
	v3 =	vand.u32 $0x10, v3;
	v4 =	vand.u32 $0x10, v4;
	v1 =	vld [tilespmem:s0+$0xFFFFFFD0]  }
0xbd: {  	v5 =	vld.idx.msk [tilespmem:v16+s6+$0x0], $0xffff;
	v11 =	vshrl.u32 v11, v3;
	v3 =	vand.u32 $0x10, v6;
	v6 =	vand.u32 $0x10, v9  }
0xbe: {  	v60 =	vld [tilespmem:s0+$0x20];
	v59 =	vshrl.u32 v12, v4;
	v4 =	vshrl.u32 v10, $0xB;
	v11 =	vshll.u32 v11, $0x10  }
0xbf: {  	v61 =	vshrl.u32 v13, v3;
	v3 =	vld [tilespmem:s30+$0x0];
	v9 =	vshll.u32 v59, $0x10;
	v11 =	vmul.f32 v11, v55  }
0xc0: {  	v2 =	vshll.u32 v2, $0x10;
	v62 =	vand.u32 $0x10, v4;
	v4 =	vld [tilespmem:s30+$0x10];
	v9 =	vmul.f32 v9, v56  }
0xc1: {  	[tilespmem:v58+s22+$0x0] =	vst.idx.add.f32.msk $0xffff, v11;
	v2 =	vmul.f32 v2, v1  }
0xc2: {  	v63 =	vshrl.u32 v18, v62;
	v5 =	vshrl.u32 v5, v6;
	v6 =	vshll.u32 v61, $0x10;
	[tilespmem:v7+s22+$0x0] =	vst.idx.add.f32.msk $0xffff, v9  }
0xc3: {  	v6 =	vmul.f32 v6, v57;
	[tilespmem:v8+s22+$0x0] =	vst.idx.add.f32.msk $0xffff, v2;
	v2 =	vshll.u32 v5, $0x10;
	v8 =	vshll.u32 v63, $0x10  }
0xc4: {  	s5 =	simm.s32 $0x0;
	s1 =	simm.s32 $0x1B0C0;
	v1 =	vld [tilespmem:s30+$0x20];
	v5 =	vmul.f32 v2, v19;
	v2 =	vmul.f32 v8, v60  }
.LBB2_7:
0xc5: {  	v7 =	vld [tilespmem:s1+$0x30];
	s5 =	sadd.s32 $0x8, s5  }
0xc6: {  	v8 =	vld [tilespmem:s1+$0xFFFFFFD0];
	p0 =	slt.u32 s5, $0xF8  }
0xc7: {  	v9 =	vld [tilespmem:s1+$0xFFFFFFE0]  }
0xc8: {  	v10 =	vld [tilespmem:s1+$0xFFFFFFF0]  }
0xc9: {  	v11 =	vld [tilespmem:s1+$0x0]  }
0xca: {  	v12 =	vld [tilespmem:s1+$0x10];
	v13 =	vand.u32 $0x7FFF, v7  }
0xcb: {  	v14 =	vand.u32 $0x7FFF, v8;
	v8 =	vshrl.u32 v8, $0xB;
	v15 =	vld [tilespmem:s1+$0x20]  }
0xcc: {  	v16 =	vld [tilespmem:s1+$0xFFFFFFC0];
	v8 =	vand.u32 $0x10, v8;
	v17 =	vand.u32 $0x7FFF, v9;
	v9 =	vshrl.u32 v9, $0xB  }
0xcd: {  	v9 =	vand.u32 $0x10, v9;
	v18 =	vand.u32 $0x7FFF, v10;
	v10 =	vshrl.u32 v10, $0xB;
	[tilespmem:v3+s22+$0x0] =	vst.idx.add.f32.msk $0xffff, v6  }
0xce: {  	v3 =	vand.u32 $0x10, v10;
	v6 =	vand.u32 $0x7FFF, v11;
	v10 =	vshrl.u32 v11, $0xB;
	[tilespmem:v4+s22+$0x0] =	vst.idx.add.f32.msk $0xffff, v5  }
0xcf: {  	v4 =	vand.u32 $0x10, v10;
	v5 =	vand.u32 $0x7FFF, v12;
	v10 =	vshrl.u32 v12, $0xB;
	v11 =	vld.idx.msk [tilespmem:v13+s6+$0x0], $0xffff  }
0xd0: {  	s30 =	sadd.s32 $0x80, s30;
	v12 =	vld.idx.msk [tilespmem:v14+s6+$0x0], $0xffff;
	v10 =	vand.u32 $0x10, v10;
	v13 =	vand.u32 $0x7FFF, v15;
	v14 =	vshrl.u32 v15, $0xB  }
0xd1: {  	s0 =	sadd.s32 $0x80, s0;
	v15 =	vand.u32 $0x7FFF, v16;
	v16 =	vshrl.u32 v16, $0xB;
	v14 =	vand.u32 $0x10, v14;
	v19 =	vld [tilespmem:s30+$0x30]  }
0xd2: {  	v16 =	vand.u32 $0x10, v16;
	v20 =	vld [tilespmem:s0+$0x30]  }
0xd3: {  	v7 =	vshrl.u32 v7, $0xB;
	v17 =	vld.idx.msk [tilespmem:v17+s6+$0x0], $0xffff  }
0xd4: {  	v7 =	vand.u32 $0x10, v7;
	v18 =	vld.idx.msk [tilespmem:v18+s6+$0x0], $0xffff  }
0xd5: {  	v7 =	vshrl.u32 v11, v7;
	v6 =	vld.idx.msk [tilespmem:v6+s6+$0x0], $0xffff  }
0xd6: {  	v8 =	vshrl.u32 v12, v8;
	v7 =	vshll.u32 v7, $0x10;
	v11 =	vld.idx.msk [tilespmem:v15+s6+$0x0], $0xffff  }
0xd7: {  	v8 =	vshll.u32 v8, $0x10;
	v5 =	vld.idx.msk [tilespmem:v5+s6+$0x0], $0xffff;
	v7 =	vmul.f32 v7, v20  }
0xd8: {  	v12 =	vld.idx.msk [tilespmem:v13+s6+$0x0], $0xffff  }
0xd9: {  	v9 =	vshrl.u32 v17, v9;
	[tilespmem:v19+s22+$0x0] =	vst.idx.add.f32.msk $0xffff, v7  }
0xda: {  	v9 =	vshll.u32 v9, $0x10;
	v3 =	vshrl.u32 v18, v3;
	v7 =	vld [tilespmem:s0+$0xFFFFFFC0]  }
0xdb: {  	v3 =	vshll.u32 v3, $0x10;
	v4 =	vshrl.u32 v6, v4;
	v13 =	vld [tilespmem:s0+$0xFFFFFFD0]  }
0xdc: {  	v6 =	vshrl.u32 v11, v16;
	v4 =	vshll.u32 v4, $0x10;
	v11 =	vld [tilespmem:s0+$0xFFFFFFE0]  }
0xdd: {  	v6 =	vshll.u32 v6, $0x10;
	v5 =	vshrl.u32 v5, v10;
	v15 =	vld [tilespmem:s0+$0xFFFFFFF0]  }
0xde: {  	v5 =	vshll.u32 v5, $0x10;
	v12 =	vshrl.u32 v12, v14;
	v10 =	vld [tilespmem:s0+$0x0]  }
0xdf: {  	v12 =	vshll.u32 v12, $0x10;
	v7 =	vmul.f32 v6, v7;
	v14 =	vld [tilespmem:s0+$0x10]  }
0xe0: {  	v8 =	vmul.f32 v8, v13;
	v13 =	vld [tilespmem:s0+$0x20]  }
0xe1: {  	v16 =	vld [tilespmem:s30+$0xFFFFFFC0];
	v9 =	vmul.f32 v9, v11  }
0xe2: {  	v11 =	vld [tilespmem:s30+$0xFFFFFFD0];
	v15 =	vmul.f32 v3, v15  }
0xe3: {  	v17 =	vld [tilespmem:s30+$0xFFFFFFE0];
	v6 =	vmul.f32 v4, v10  }
0xe4: {  	v10 =	vld [tilespmem:s30+$0xFFFFFFF0];
	v5 =	vmul.f32 v5, v14  }
0xe5: {  	v3 =	vld [tilespmem:s30+$0x0];
	v12 =	vmul.f32 v12, v13  }
0xe6: {  	v4 =	vld [tilespmem:s30+$0x10]  }
0xe7: {  	v13 =	vld [tilespmem:s30+$0x20]  }
.Ltmp2:
0xe8: {  	[tilespmem:v1+s22+$0x0] =	vst.idx.add.f32.msk $0xffff, v2;
	v2 =	vmov v12;
	(pc) =	sbr.rel @p0 .LBB2_7-.Ltmp2, $4  }
0xe9: {  	[tilespmem:v16+s22+$0x0] =	vst.idx.add.f32.msk $0xffff, v7  }
0xea: {  	[tilespmem:v11+s22+$0x0] =	vst.idx.add.f32.msk $0xffff, v8  }
0xeb: {  	[tilespmem:v17+s22+$0x0] =	vst.idx.add.f32.msk $0xffff, v9  }
0xec: {  	s1 =	sadd.s32 $0x80, s1;
	[tilespmem:v10+s22+$0x0] =	vst.idx.add.f32.msk $0xffff, v15;
	v1 =	vmov v13  }
0xed: {  	s29 =	sadd.s32 $0x1, s29  }
0xee: {  	p0 =	sne.s32 s29, $0x10  }
.Ltmp3:
0xef: {  	_ = 	snop;
	(pc) =	sbr.rel @p0 .LBB2_4-.Ltmp3, $4  }
0xf0: {  	_ = 	snop  }
0xf1: {  	[tilespmem:v3+s22+$0x0] =	vst.idx.add.f32.msk $0xffff, v6  }
0xf2: {  	[tilespmem:v4+s22+$0x0] =	vst.idx.add.f32.msk $0xffff, v5  }
0xf3: {  	[tilespmem:v1+s22+$0x0] =	vst.idx.add.f32.msk $0xffff, v2  }
0xf4: {  	s28 =	sadd.s32 $0x1, s28  }
0xf5: {  	p0 =	sne.s32 s28, s13  }
.Ltmp4:
0xf6: {  	_ = 	snop;
	(pc) =	sbr.rel @p0 .LBB2_1-.Ltmp4, $4  }
0xf7: {  	[hbm4b:s12+s24] =	stream.strided.scatter [tilespmem:s22], [sflag:$0x4], $0x10000, s25, s24, $0x38;
	[tilespmem:$0x1E000] =	vst v63  }
0xf8: {  	_ =	swait.ge [sflag:s26], $0x10000  }
0xf9: {  	[sflag:s26] =	ssyncset.done $0x0  }
0xfa: {  	[sflag:s26] =	ssyncadd.s32 $0xFFFF0000  }
0xfb: {  	_ =	sfence.sel $0x180000  }
0xfc: {  	[bflag:$0x0] =	sbarrier.arrive $0xFFFF  }
0xfd: {  	_ =	strace $0x90000047  }
0xfe: {  	s0 =	stileid.u32;
	[bflag:$0x2] =	sbarrier.arrive $0xFFFF  }
0xff: {  	p0 =	sne.s32 s0, $0x0;
	s0 =	rddreg [dreg:$0x5]  }
0x100: {  	s0 =	sadd.s32 @!p0 $0x100000, s0  }
0x101: {  	[sflag:s0] =	ssyncadd.tile.s32 @!p0 $0x1;
	_ =	shalt  }
.Lfunc_end2:
_tile_overlayer_lowered:
.L_overlay_start_2:
0x102: {  	(tag) =	ssettag $0x2  }
0x103: {  	s0 =	rddreg [dreg:$0x0];
	s2 =	stileid.u32  }
0x104: {  	s1 =	rddreg [dreg:$0x1];
	p0 =	sne.s32 s2, $0x0  }
0x105: {  	s3 =	rddreg [dreg:$0x2];
	[bflag:$0x3] =	sbarrier.arrive $0xFFFF;
	s2 =	simm.s32 @!p0 $0x1C04  }
0x106: {  	[timem:s3], [sflag:s2] =	dma.local @!p0 [hbm:s0], s1  }
0x107: {  	s0 =	simm.s32 @!p0 $0x4  }
0x108: {  	_ =	swait.ge @!p0 [sflag:s0], s1  }
0x109: {  	s1 =	ssub.s32 @!p0 $0x0, s1;
	[sflag:s0] =	ssyncset.done @!p0 $0x0  }
0x10a: {  	[sflag:s0] =	ssyncadd.s32 @!p0 s1  }
0x10b: {  	[bflag:$0x3] =	sbarrier.arrive $0xFFFF  }
0x10c: {  	_ =	shalt  }

</sc_bundles>
